<compile_context>
chip_gen: v7x
topology: tpu7x:2x2x1
jax: 0.10.2.dev20260603
libtpu: 0.0.44.dev20260713+nightly
codegen_flags: <defaults>
</compile_context>

<pallas_src>
import functools

import jax
import jax.numpy as jnp
from jax import lax
from jax.experimental import pallas as pl
from jax.experimental.pallas import tpu as pltpu
from jax.experimental.pallas import tpu_sc as plsc

_N_POS = 2048
_N_NEG = 14336
_POS_LEN = 100000
_MARGIN = 1.0
_BETA = 0.2
_SCALE = 1.0 / (_N_POS * _N_NEG * _BETA)

_NS = 16


@functools.lru_cache(maxsize=2)
def _gather_u_kernel(ncores=1):
    mesh = plsc.VectorSubcoreMesh(
        core_axis_name="c", subcore_axis_name="s", num_cores=ncores
    )
    b_per_w = _N_POS // (_NS * ncores)

    @functools.partial(
        pl.kernel,
        mesh=mesh,
        out_type=jax.ShapeDtypeStruct((_N_POS,), jnp.float32),
        scratch_types=[
            pltpu.VMEM((b_per_w,), jnp.int32),
            pltpu.VMEM((b_per_w,), jnp.float32),
            pltpu.SemaphoreType.DMA,
        ],
    )
    def _gather_u(idx_hbm, u_hbm, out_hbm, idx_v, rows_v, sem):
        wid = lax.axis_index("s") * ncores + lax.axis_index("c")
        base = wid * b_per_w
        pltpu.sync_copy(idx_hbm.at[pl.ds(base, b_per_w)], idx_v)
        pltpu.async_copy(u_hbm.at[idx_v], rows_v, sem).wait()
        pltpu.sync_copy(rows_v, out_hbm.at[pl.ds(base, b_per_w)])

    return _gather_u


def _dense_body(fp_col_ref, fp_row_ref, fn_ref, u_ref, out_ref):
    a_col = _MARGIN - fp_col_ref[...]
    c = jnp.sqrt(jnp.maximum(u_ref[...], 0.0)) - a_col
    x = fn_ref[...]
    mf = jnp.where(x > c, 1.0, 0.0)
    a_row = _MARGIN - fp_row_ref[...]
    w = jnp.concatenate(
        [a_row * a_row, 2.0 * a_row, jnp.ones_like(a_row)], axis=0
    )
    cstat = jax.lax.dot_general(
        w, mf, (((1,), (0,)), ((), ())),
        preferred_element_type=jnp.float32)
    tot = cstat[0:1, :] + cstat[1:2, :] * x + cstat[2:3, :] * (x * x)
    out_ref[0, 0] = jnp.sum(tot) * _SCALE


def _dense(f_ps_col, f_ps_row, f_ns, u_sel):
    return pl.pallas_call(
        _dense_body,
        in_specs=[
            pl.BlockSpec((_N_POS, 1), lambda: (0, 0)),
            pl.BlockSpec((1, _N_POS), lambda: (0, 0)),
            pl.BlockSpec((1, _N_NEG), lambda: (0, 0)),
            pl.BlockSpec((_N_POS, 1), lambda: (0, 0)),
        ],
        out_specs=pl.BlockSpec(
            (1, 1), lambda: (0, 0), memory_space=pltpu.SMEM
        ),
        out_shape=jax.ShapeDtypeStruct((1, 1), jnp.float32),
    )(f_ps_col, f_ps_row, f_ns, u_sel)


def kernel(y_pred, y_true, index_p, u_pos):
    del y_true
    f_ps = y_pred[:_N_POS]
    f_ps_row = f_ps.reshape(1, _N_POS)
    f_ns = y_pred[_N_POS:].reshape(1, _N_NEG)
    idx = index_p[:_N_POS]
    u_sel = _gather_u_kernel()(idx, u_pos.reshape(-1)).reshape(_N_POS, 1)
    out = _dense(f_ps, f_ps_row, f_ns, u_sel)
    return out[0, 0]

# --- scband reference (transcript-rebuilt; emitter-appended) ---
"""Pipeline reference for scband-p-auc-cva-r-loss-45655502356909 (READ-ONLY COPY).

The authoritative reference and input builder live on the scoring server;
editing this copy changes nothing except your own understanding.
"""

import jax, jax.numpy as jnp
import numpy as np

N_POS = 2048
N_NEG = 14336
POS_LEN = 100000
MARGIN = 1.0
BETA = 0.2
ETA = 1.0

def setup_inputs(seed: int = 0) -> dict:
    key = jax.random.key(seed)
    k1, k2 = jax.random.split(key, 2)
    y_pred = jax.random.normal(k1, (N_POS + N_NEG, 1), dtype=jnp.float32)
    # labels: first N_POS are positives (1), rest negatives (0)
    y_true = jnp.concatenate([jnp.ones((N_POS, 1), dtype=jnp.int32), jnp.zeros((N_NEG, 1), dtype=jnp.int32)], axis=0)
    # index_p: per-example index into the global u_pos buffer for positives, -1 for negatives
    idx_pos = jax.random.randint(k2, (N_POS,), 0, POS_LEN, dtype=jnp.int32)
    index_p = jnp.concatenate([idx_pos, -jnp.ones((N_NEG,), dtype=jnp.int32)], axis=0)
    # module state buffer (self.u_pos)
    u_pos = jnp.zeros((POS_LEN, 1), dtype=jnp.float32)
    return {"y_pred": y_pred, "y_true": y_true, "index_p": index_p, "u_pos": u_pos}

def squared_hinge_loss(margin, t):
    return jnp.maximum(margin - t, 0.0) ** 2

def reference(y_pred, y_true, index_p, u_pos):
    y_pred = y_pred.reshape(-1, 1)
    # data is constructed with positives first, so static slicing reproduces
    # y_pred[y_true==1] / y_pred[y_true==0] boolean masking with fixed shapes
    f_ps = y_pred[:N_POS]
    f_ns = y_pred[N_POS:]
    idx_sel = index_p[:N_POS]  # == index_p[index_p >= 0]
    num_neg = jnp.sum((y_true == 0).astype(jnp.float32))  # auto=True path
    diff = f_ps - f_ns.T  # (N_POS, N_NEG) pairwise margins
    loss = squared_hinge_loss(MARGIN, diff)
    u_sel = u_pos[idx_sel]  # gather (N_POS, 1)
    p = loss > u_sel  # CVaR mask (detached / non-differentiable)
    # stateful u_pos update (side effect in the torch module)
    u_pos_new = u_pos.at[idx_sel].set(u_sel - ETA / POS_LEN * (1.0 - jnp.sum(p, axis=1, keepdims=True) / (BETA * num_neg)))
    del u_pos_new
    out = jnp.mean(p * loss) / BETA
    return out

if __name__ == "__main__":
    import jax
    _d = setup_inputs()
    print(jax.jit(kernel)(*tuple(_d.values())))

</pallas_src>

<mosaic_0001>
#map = affine_map<(d0, d1) -> (0)>
module attributes {stable_mosaic.version = 14 : i64} {
  func.func @_gather_u(%arg0: i32, %arg1: i32, %arg2: memref<2048xi32, #tpu.memory_space<hbm>>, %arg3: memref<100000xf32, #tpu.memory_space<hbm>>, %arg4: memref<2048xf32, #tpu.memory_space<hbm>>, %arg5: memref<128xi32, #tpu.memory_space<vmem>>, %arg6: memref<128xf32, #tpu.memory_space<vmem>>, %arg7: memref<!tpu.dma_semaphore, #tpu.memory_space<semaphore_mem>>) attributes {dimension_semantics = [#tpu.dimension_semantics<core_parallel>, #tpu.dimension_semantics<subcore_parallel>], iteration_bounds = array<i64: 1, 16>, scalar_prefetch = 0 : i64, scratch_operands = 3 : i64, tpu.core_type = #tpu.core_type<sc_vector_subcore>, window_params = [{transform_indices = #map}, {transform_indices = #map}, {transform_indices = #map}]} {
    %mul3A = arith.constant 1 : i32
    %mul3A_0 = arith.muli %arg1, %mul3A : i32
    %add3A = arith.addi %mul3A_0, %arg0 : i32
    %mul3A_1 = arith.constant 128 : i32
    %mul3A_2 = arith.muli %add3A, %mul3A_1 : i32
    "tpu.region"() ({
      %run_scoped3A = tpu.sem_alloc : memref<!tpu.dma_semaphore, #tpu.memory_space<semaphore_mem>>
      %dma_start3A_5 = tpu.memref_slice %arg2[%mul3A_2] : memref<2048xi32, #tpu.memory_space<hbm>> -> memref<128xi32, #tpu.memory_space<hbm>>
      %dma_start3A_6 = tpu.memref_slice %arg2[%mul3A_2] : memref<2048xi32, #tpu.memory_space<hbm>> -> memref<128xi32, #tpu.memory_space<hbm>>
      tpu.enqueue_dma source(%dma_start3A_6 : memref<128xi32, #tpu.memory_space<hbm>>) target(%arg5 : memref<128xi32, #tpu.memory_space<vmem>>) target_semaphore(%run_scoped3A : memref<!tpu.dma_semaphore, #tpu.memory_space<semaphore_mem>>)
      %dma_wait3A_7 = tpu.memref_slice %arg2[%mul3A_2] : memref<2048xi32, #tpu.memory_space<hbm>> -> memref<128xi32, #tpu.memory_space<hbm>>
      %dma_wait3A_8 = tpu.memref_slice %arg2[%mul3A_2] : memref<2048xi32, #tpu.memory_space<hbm>> -> memref<128xi32, #tpu.memory_space<hbm>>
      tpu.wait_dma2 semaphore(%run_scoped3A : memref<!tpu.dma_semaphore, #tpu.memory_space<semaphore_mem>>) src(%dma_wait3A_8 : memref<128xi32, #tpu.memory_space<hbm>>) dst(%arg5 : memref<128xi32, #tpu.memory_space<vmem>>)
      tpu.yield
    }) : () -> ()
    %dma_start3A = arith.constant 0 : i32
    %dma_start3A_3 = tpu.memref_slice %arg3[%dma_start3A] : memref<100000xf32, #tpu.memory_space<hbm>> -> memref<100000xf32, #tpu.memory_space<hbm>>
    tpu.enqueue_indirect_dma source(%dma_start3A_3 : memref<100000xf32, #tpu.memory_space<hbm>>) target(%arg6 : memref<128xf32, #tpu.memory_space<vmem>>) offsets(%arg5 : memref<128xi32, #tpu.memory_space<vmem>>) semaphore(%arg7 : memref<!tpu.dma_semaphore, #tpu.memory_space<semaphore_mem>>)
    %dma_wait3A = arith.constant 0 : i32
    %dma_wait3A_4 = tpu.memref_slice %arg3[%dma_wait3A] : memref<100000xf32, #tpu.memory_space<hbm>> -> memref<100000xf32, #tpu.memory_space<hbm>>
    tpu.wait_indirect_dma semaphore(%arg7 : memref<!tpu.dma_semaphore, #tpu.memory_space<semaphore_mem>>) src(%dma_wait3A_4 : memref<100000xf32, #tpu.memory_space<hbm>>) dst(%arg6 : memref<128xf32, #tpu.memory_space<vmem>>)
    "tpu.region"() ({
      %run_scoped3A = tpu.sem_alloc : memref<!tpu.dma_semaphore, #tpu.memory_space<semaphore_mem>>
      %dma_start3A_5 = tpu.memref_slice %arg4[%mul3A_2] : memref<2048xf32, #tpu.memory_space<hbm>> -> memref<128xf32, #tpu.memory_space<hbm>>
      %dma_start3A_6 = tpu.memref_slice %arg4[%mul3A_2] : memref<2048xf32, #tpu.memory_space<hbm>> -> memref<128xf32, #tpu.memory_space<hbm>>
      tpu.enqueue_dma source(%arg6 : memref<128xf32, #tpu.memory_space<vmem>>) target(%dma_start3A_6 : memref<128xf32, #tpu.memory_space<hbm>>) target_semaphore(%run_scoped3A : memref<!tpu.dma_semaphore, #tpu.memory_space<semaphore_mem>>)
      %dma_wait3A_7 = tpu.memref_slice %arg4[%mul3A_2] : memref<2048xf32, #tpu.memory_space<hbm>> -> memref<128xf32, #tpu.memory_space<hbm>>
      %dma_wait3A_8 = tpu.memref_slice %arg4[%mul3A_2] : memref<2048xf32, #tpu.memory_space<hbm>> -> memref<128xf32, #tpu.memory_space<hbm>>
      tpu.wait_dma2 semaphore(%run_scoped3A : memref<!tpu.dma_semaphore, #tpu.memory_space<semaphore_mem>>) src(%arg6 : memref<128xf32, #tpu.memory_space<vmem>>) dst(%dma_wait3A_8 : memref<128xf32, #tpu.memory_space<hbm>>)
      tpu.yield
    }) : () -> ()
    return
  }
}

module attributes {stable_mosaic.version = 14 : i64} {
  func.func @_dense_body(%arg0: memref<2048x1xf32, #tpu.memory_space<vmem>>, %arg1: memref<1x2048xf32, #tpu.memory_space<vmem>>, %arg2: memref<1x14336xf32, #tpu.memory_space<vmem>>, %arg3: memref<2048x1xf32, #tpu.memory_space<vmem>>, %arg4: memref<1x1xf32, #tpu.memory_space<smem>>) attributes {dimension_semantics = [], scalar_prefetch = 0 : i64, scratch_operands = 0 : i64, tpu.core_type = #tpu.core_type<tc>} {
    %get3A = arith.constant 0 : index
    %get3A_0 = arith.constant 0 : index
    %get3A_1 = vector.load %arg0[%get3A, %get3A_0] : memref<2048x1xf32, #tpu.memory_space<vmem>>, vector<2048x1xf32>
    %sub3A = arith.constant 1.000000e+00 : f32
    %sub3A_2 = vector.broadcast %sub3A : f32 to vector<2048x1xf32>
    %sub3A_3 = arith.subf %sub3A_2, %get3A_1 : vector<2048x1xf32>
    %get3A_4 = arith.constant 0 : index
    %get3A_5 = arith.constant 0 : index
    %get3A_6 = vector.load %arg3[%get3A_4, %get3A_5] : memref<2048x1xf32, #tpu.memory_space<vmem>>, vector<2048x1xf32>
    %max3A = arith.constant 0.000000e+00 : f32
    %max3A_7 = vector.broadcast %max3A : f32 to vector<2048x1xf32>
    %max3A_8 = arith.maximumf %get3A_6, %max3A_7 : vector<2048x1xf32>
    %sqrt3A = math.sqrt %max3A_8 : vector<2048x1xf32>
    %sub3A_9 = arith.subf %sqrt3A, %sub3A_3 : vector<2048x1xf32>
    %get3A_10 = arith.constant 0 : index
    %get3A_11 = arith.constant 0 : index
    %get3A_12 = vector.load %arg2[%get3A_10, %get3A_11] : memref<1x14336xf32, #tpu.memory_space<vmem>>, vector<1x14336xf32>
    %gt3A = vector.broadcast %get3A_12 : vector<1x14336xf32> to vector<2048x14336xf32>
    %gt3A_13 = vector.broadcast %sub3A_9 : vector<2048x1xf32> to vector<2048x14336xf32>
    %gt3A_14 = arith.cmpf ogt, %gt3A, %gt3A_13 : vector<2048x14336xf32>
    %jit3A = arith.constant 1.000000e+00 : f32
    %jit3A_15 = arith.constant 0.000000e+00 : f32
    %broadcast_in_dim3A = vector.broadcast %jit3A : f32 to vector<2048x14336xf32>
    %broadcast_in_dim3A_16 = vector.broadcast %jit3A_15 : f32 to vector<2048x14336xf32>
    %select_n3A = arith.select %gt3A_14, %broadcast_in_dim3A, %broadcast_in_dim3A_16 : vector<2048x14336xi1>, vector<2048x14336xf32>
    %get3A_17 = arith.constant 0 : index
    %get3A_18 = arith.constant 0 : index
    %get3A_19 = vector.load %arg1[%get3A_17, %get3A_18] : memref<1x2048xf32, #tpu.memory_space<vmem>>, vector<1x2048xf32>
    %sub3A_20 = arith.constant 1.000000e+00 : f32
    %sub3A_21 = vector.broadcast %sub3A_20 : f32 to vector<1x2048xf32>
    %sub3A_22 = arith.subf %sub3A_21, %get3A_19 : vector<1x2048xf32>
    %mul3A = arith.mulf %sub3A_22, %sub3A_22 : vector<1x2048xf32>
    %mul3A_23 = arith.constant 2.000000e+00 : f32
    %mul3A_24 = vector.broadcast %mul3A_23 : f32 to vector<1x2048xf32>
    %mul3A_25 = arith.mulf %mul3A_24, %sub3A_22 : vector<1x2048xf32>
    %broadcast_in_dim3A_26 = arith.constant 1.000000e+00 : f32
    %broadcast_in_dim3A_27 = vector.broadcast %broadcast_in_dim3A_26 : f32 to vector<1x2048xf32>
    %concatenate3A = tpu.concatenate %mul3A, %mul3A_25, %broadcast_in_dim3A_27 in 0 : vector<1x2048xf32>, vector<1x2048xf32>, vector<1x2048xf32> -> vector<3x2048xf32>
    %dot_general3A = arith.constant dense<0.000000e+00> : vector<3x14336xf32>
    %dot_general3A_28 = tpu.matmul %concatenate3A, %select_n3A, %dot_general3A {dimension_numbers = #tpu.dot_dimension_numbers<[1], [0], [0], [1], [0, 0, 1, 1], [], []>, transpose_lhs_hint = false} : vector<3x2048xf32>, vector<2048x14336xf32>, vector<3x14336xf32> -> vector<3x14336xf32>
    %slice3A = vector.extract_strided_slice %dot_general3A_28 {offsets = [0, 0], sizes = [1, 14336], strides = [1, 1]} : vector<3x14336xf32> to vector<1x14336xf32>
    %slice3A_29 = vector.extract_strided_slice %dot_general3A_28 {offsets = [1, 0], sizes = [1, 14336], strides = [1, 1]} : vector<3x14336xf32> to vector<1x14336xf32>
    %mul3A_30 = arith.mulf %slice3A_29, %get3A_12 : vector<1x14336xf32>
    %add3A = arith.addf %slice3A, %mul3A_30 : vector<1x14336xf32>
    %slice3A_31 = vector.extract_strided_slice %dot_general3A_28 {offsets = [2, 0], sizes = [1, 14336], strides = [1, 1]} : vector<3x14336xf32> to vector<1x14336xf32>
    %mul3A_32 = arith.mulf %get3A_12, %get3A_12 : vector<1x14336xf32>
    %mul3A_33 = arith.mulf %slice3A_31, %mul3A_32 : vector<1x14336xf32>
    %add3A_34 = arith.addf %add3A, %mul3A_33 : vector<1x14336xf32>
    %reduce_sum3A = vector.shape_cast %add3A_34 : vector<1x14336xf32> to vector<1x1x14336xf32>
    %reduce_sum3A_35 = arith.constant dense<0.000000e+00> : vector<1xf32>
    %reduce_sum3A_36 = vector.multi_reduction <add>, %reduce_sum3A, %reduce_sum3A_35 [1, 2] : vector<1x1x14336xf32> to vector<1xf32>
    %reduce_sum3A_37 = vector.shape_cast %reduce_sum3A_36 : vector<1xf32> to vector<1x1x1xf32>
    %reduce_sum3A_38 = vector.extract %reduce_sum3A_37[0, 0, 0] : f32 from vector<1x1x1xf32>
    %mul3A_39 = arith.constant 1.70298989E-7 : f32
    %mul3A_40 = arith.mulf %reduce_sum3A_38, %mul3A_39 : f32
    %swap3A = arith.constant 0 : index
    %swap3A_41 = arith.constant 0 : index
    %swap3A_42 = memref.load %arg4[%swap3A, %swap3A_41] : memref<1x1xf32, #tpu.memory_space<smem>>
    memref.store %mul3A_40, %arg4[%swap3A, %swap3A_41] : memref<1x1xf32, #tpu.memory_space<smem>>
    return
  }
}

</mosaic_0001>

<sc_bundles>
// kernel: kernel.4.cloned.1.call-start
scs
__scs_entry_jumppad:
0x0: {  	(pc) =	sbr.rel $0x88, $3  }
0x1: {  	(tag) =	ssettag $0x0;
	lr =	simm.s32 $0x1  }
0x2: {  	[smem:$0x3F9E] =	sst lr;
	_ =	strace $0xD0000000  }
0x3: {  	_ = 	snop  }
0x4: {  	_ = 	snop  }
0x5: {  	_ = 	snop  }
0x6: {  	_ = 	snop  }
0x7: {  	_ = 	snop  }
__scs_overlays_trampoline_lowered:
0x8: {  	[smem:$0x3FAD] =	sst s0  }
0x9: {  	[smem:$0x3FAE] =	sst s1  }
0xa: {  	[smem:$0x3FAF] =	sst s2  }
0xb: {  	[smem:$0x3FB0] =	sst s3  }
0xc: {  	[smem:$0x3FB1] =	sst s4  }
0xd: {  	[smem:$0x3FB2] =	sst s5  }
0xe: {  	[smem:$0x3FB3] =	sst s6  }
0xf: {  	[smem:$0x3FB4] =	sst s7  }
0x10: {  	[smem:$0x3FB5] =	sst s8  }
0x11: {  	[smem:$0x3FB6] =	sst s9;
	s0 =	simm.s32 @!p0 $0x0  }
0x12: {  	s1 =	sld [smem:$0x3F9C];
	s0 =	simm.s32 @p0 $0x1  }
0x13: {  	[smem:$0x3FB7] =	sst s0;
	s0 =	simm.s32 @!p1 $0x0  }
0x14: {  	s2 =	sld [smem:$0x3F9B];
	s0 =	simm.s32 @p1 $0x1  }
0x15: {  	[smem:$0x3FB8] =	sst s0;
	s0 =	simm.s32 @!p2 $0x0  }
0x16: {  	s3 =	sld [smem:$0x3FDB];
	s0 =	simm.s32 @p2 $0x1  }
0x17: {  	s4 =	simm.s32 $0x1BF5;
	[smem:$0x3FBA] =	sst s0  }
0x18: {  	s0 =	sld [smem:$0x3F9D];
	_ =	swait.ge [sflag:s4], $0x0  }
0x19: {  	s7 =	sld [smem:$0x3F9E]  }
0x1a: {  	s8 =	sadd.s32 $0xFFFFE003, lr  }
0x1b: {  	s9 =	sadd.s32 $0xFFFFFEF7, lr;
	s5 =	simm.s32 $0xFFFFFFFF;
	p2 =	slt.u32 s8, $0xFFFFF086  }
0x1c: {  	p1 =	slt.u32 s9, $0xF7A;
	s5 =	simm.s32 @!p2 $0x0  }
0x1d: {  	s5 =	simm.s32 @p1 $0x1;
	p0 =	seq.s32 s7, s2  }
0x1e: {  	s7 =	smul.u32 @!p0 $0xF7A, s2;
	p2 =	seq.s32 @!p0 s5, $0x0  }
0x1f: {  	s9 =	smul.u32 $0xF7A, s1;
	s8 =	simm.s32 @!p0 $0x1BF5;
	p2 =	por !p2, p0  }
0x20: {  	[sflag:s8] =	ssyncset.s32 @!p0 $0xFFFFF086;
	s6 =	sadd.s32 @!p0 s3, s7;
	s7 =	simm.s32 @!p0 $0x108  }
0x21: {  	s3 =	sadd.s32 s3, s9;
	s6 =	sadd.s32 @!p0 $0x88, s6;
	s7 =	simm.s32 @p2 $0x1082  }
0x22: {  	[simem:s7], [sflag:s8] =	dma.local @!p0 [hbm:s6], $0xF7A  }
0x23: {  	s9 =	sor.u32 $0xD0000000, s2;
	s6 =	simm.s32 $0x108;
	_ =	swait.ge @!p0 [sflag:s8], $0x0  }
0x24: {  	s3 =	sadd.s32 $0x88, s3;
	s6 =	simm.s32 @!p1 $0x1082;
	[sflag:s4] =	ssyncset.s32 $0xFFFFF086  }
0x25: {  	[simem:s6], [sflag:s4] =	dma.local [hbm:s3], $0xF7A  }
0x26: {  	[smem:$0x3F9E] =	sst s1;
	(tag) =	ssettag s2;
	_ =	strace s9  }
0x27: {  	s1 =	sld [smem:$0x3FAE]  }
0x28: {  	s2 =	sld [smem:$0x3FAF]  }
0x29: {  	s4 =	sld [smem:$0x3FB1]  }
0x2a: {  	p0 =	seq.s32 s5, $0x0;
	s5 =	sld [smem:$0x3FB2]  }
0x2b: {  	s6 =	sld [smem:$0x3FB3]  }
0x2c: {  	s7 =	sld [smem:$0x3FB4]  }
0x2d: {  	s3 =	simm.s32 $0x108;
	s8 =	sld [smem:$0x3FB5]  }
0x2e: {  	s3 =	simm.s32 @!p0 $0x1082;
	s9 =	sld [smem:$0x3FB6]  }
0x2f: {  	lr =	sadd.s32 s0, s3;
	s0 =	sld [smem:$0x3FAD]  }
0x30: {  	s3 =	sld [smem:$0x3FB0]  }
0x31: {  	[smem:$0x3FB9] =	sst s10  }
0x32: {  	s10 =	sld [smem:$0x3FB7];
	_ =	sdelay $0x3  }
0x33: {  	p0 =	seq.s32 s10, $0x1;
	s10 =	sld [smem:$0x3FB9];
	_ =	sdelay $0x3  }
0x34: {  	[smem:$0x3FB9] =	sst s10  }
0x35: {  	s10 =	sld [smem:$0x3FB8];
	_ =	sdelay $0x3  }
0x36: {  	p1 =	seq.s32 s10, $0x1;
	s10 =	sld [smem:$0x3FB9];
	_ =	sdelay $0x3  }
0x37: {  	[smem:$0x3FB9] =	sst s10  }
0x38: {  	s10 =	sld [smem:$0x3FBA]  }
0x39: {  	_ = 	snop;
	(pc) =	sbr.ind lr, $3  }
0x3a: {  	_ = 	snop  }
0x3b: {  	_ = 	snop  }
0x3c: {  	p2 =	seq.s32 s10, $0x1;
	s10 =	sld [smem:$0x3FB9]  }
0x3d: {  	_ =	shalt  }
0x3e: {  	_ =	shalt  }
0x3f: {  	_ =	shalt  }
0x40: {  	_ =	shalt  }
0x41: {  	_ =	shalt  }
0x42: {  	_ =	shalt  }
0x43: {  	_ =	shalt  }
0x44: {  	_ =	shalt  }
0x45: {  	_ =	shalt  }
0x46: {  	_ =	shalt  }
0x47: {  	_ =	shalt  }
0x48: {  	_ =	shalt  }
0x49: {  	_ =	shalt  }
0x4a: {  	_ =	shalt  }
0x4b: {  	_ =	shalt  }
0x4c: {  	_ =	shalt  }
0x4d: {  	_ =	shalt  }
0x4e: {  	_ =	shalt  }
0x4f: {  	_ =	shalt  }
0x50: {  	_ =	shalt  }
0x51: {  	_ =	shalt  }
0x52: {  	_ =	shalt  }
0x53: {  	_ =	shalt  }
0x54: {  	_ =	shalt  }
0x55: {  	_ =	shalt  }
0x56: {  	_ =	shalt  }
0x57: {  	_ =	shalt  }
0x58: {  	_ =	shalt  }
0x59: {  	_ =	shalt  }
0x5a: {  	_ =	shalt  }
0x5b: {  	_ =	shalt  }
0x5c: {  	_ =	shalt  }
0x5d: {  	_ =	shalt  }
0x5e: {  	_ =	shalt  }
0x5f: {  	_ =	shalt  }
0x60: {  	_ =	shalt  }
0x61: {  	_ =	shalt  }
0x62: {  	_ =	shalt  }
0x63: {  	_ =	shalt  }
0x64: {  	_ =	shalt  }
0x65: {  	_ =	shalt  }
0x66: {  	_ =	shalt  }
0x67: {  	_ =	shalt  }
0x68: {  	_ =	shalt  }
0x69: {  	_ =	shalt  }
0x6a: {  	_ =	shalt  }
0x6b: {  	_ =	shalt  }
0x6c: {  	_ =	shalt  }
0x6d: {  	_ =	shalt  }
0x6e: {  	_ =	shalt  }
0x6f: {  	_ =	shalt  }
0x70: {  	_ =	shalt  }
0x71: {  	_ =	shalt  }
0x72: {  	_ =	shalt  }
0x73: {  	_ =	shalt  }
0x74: {  	_ =	shalt  }
0x75: {  	_ =	shalt  }
0x76: {  	_ =	shalt  }
0x77: {  	_ =	shalt  }
0x78: {  	_ =	shalt  }
0x79: {  	_ =	shalt  }
0x7a: {  	_ =	shalt  }
0x7b: {  	_ =	shalt  }
0x7c: {  	_ =	shalt  }
0x7d: {  	_ =	shalt  }
0x7e: {  	_ =	shalt  }
0x7f: {  	_ =	shalt  }
0x80: {  	_ =	shalt  }
0x81: {  	_ =	shalt  }
0x82: {  	_ =	shalt  }
0x83: {  	_ =	shalt  }
0x84: {  	_ =	shalt  }
0x85: {  	_ =	shalt  }
0x86: {  	_ =	shalt  }
0x87: {  	_ =	shalt  }
.Lfunc_end0:
.L_simem_size_0:
called_computation_lowered:
.L_overlay_start_0:
0x88: {  	s0 =	sld [smem:$0x3FD9]  }
0x89: {  	s1 =	sld [smem:$0x3FFE];
	_ =	sdelay $0x3  }
0x8a: {  	s0 =	sadd.s32 s1, s0  }
0x8b: {  	[smem:$0x3FC5] =	sst s0  }
0x8c: {  	_ = 	snop  }
0x8d: {  	(tm) =	ssettm $0x1  }
0x8e: {  	s15 =	sld [smem:$0x3FFB];
	_ =	sdelay $0x3  }
0x8f: {  	_ =	strace s15  }
0x90: {  	s0 =	sld [smem:$0x3FFC];
	_ =	sdelay $0x3  }
0x91: {  	_ =	strace s0  }
0x92: {  	s0 =	sld [smem:$0x3FFD];
	_ =	sdelay $0x3  }
0x93: {  	_ =	strace s0  }
0x94: {  	_ =	strace $0x8FFFFFFF  }
0x95: {  	s16 =	sld [smem:$0x3FDB];
	_ =	sdelay $0x1  }
0x96: {  	s17 =	simm.s32 $_scs_section_size  }
0x97: {  	s2 =	simm.s32 $_size__tile_overlayer_lowered;
	s3 =	simm.s32 $_tile_overlayer_lowered  }
0x98: {  	s20 =	simm.s32 $0x1BFF;
	s19 =	sshll.u32 s3, $0x1;
	s0 =	sadd.s32 s17, s16  }
0x99: {  	s4 =	simm.s32 $0x0;
	s18 =	sshll.u32 s2, $0x1;
	s2 =	sadd.s32 s19, s0  }
0x9a: {  	[timem:s4], [sflag:s20] =	dma.local [hbm:s2], s18  }
0x9b: {  	_ =	swait.ge [sflag:s20], s18  }
0x9c: {  	s1 =	ssub.s32 $0x0, s18;
	[sflag:s20] =	ssyncset.done $0x0  }
0x9d: {  	[sflag:s20] =	ssyncadd.s32 s1;
	_ =	sdelay $0x1  }
0x9e: {  	s21 =	simm.s32 $0x1B8B  }
0x9f: {  	_ =	swait.ge [sflag:s21], $0x1  }
0xa0: {  	[sflag:s21] =	ssyncset.done $0x0  }
0xa1: {  	s23 =	simm.s32 $0x1B8E;
	s22 =	sld [smem:$0x3FFE];
	[sflag:s21] =	ssyncadd.s32 $0xFFFFFFFF  }
0xa2: {  	s24 =	simm.s32 $execute0_lowered;
	[smem:$0x3FD2] =	sst s23  }
0xa3: {  	s2 =	sshll.u32 s24, $0x1;
	_ =	strace $0x80000046;
	[dreg:$0x1] =	wrdreg $0xFFFFFFFF  }
0xa4: {  	s25 =	simm.s32 $_size_execute0_lowered;
	s0 =	sadd.s32 s0, s2;
	[dreg:$0x0] =	wrdreg $0x0  }
0xa5: {  	s2 =	sshll.u32 s25, $0x1;
	[dreg:$0x2] =	wrdreg s0  }
0xa6: {  	[dreg:$0x3] =	wrdreg s2  }
0xa7: {  	[dreg:$0x4] =	wrdreg $0xC0  }
0xa8: {  	_ =	task [dreg:s4], $0x5FFFF  }
0xa9: {  	[dreg:$0x1] =	wrdreg $0xFFFFFFFF  }
0xaa: {  	[dreg:$0x0] =	wrdreg $0x60  }
0xab: {  	[dreg:$0x2] =	wrdreg s22  }
0xac: {  	[dreg:$0x3] =	wrdreg $0x9  }
0xad: {  	_ =	task.clear_ibuf [dreg:s4], $0x4FFFF;
	_ =	strace $0x90000046  }
0xae: {  	s26 =	simm.s32 $0x9;
	_ =	strace $0x80000048  }
0xaf: {  	_ =	swait.ge [sflag:s26], $0x1  }
0xb0: {  	[sflag:s26] =	ssyncadd.s32 $0xFFFFFFFF  }
0xb1: {  	_ =	strace $0x90000048  }
0xb2: {  	_ =	sfence  }
0xb3: {  	s28 =	sld [smem:$0x0];
	_ =	sdelay $0x1  }
0xb4: {  	s29 =	srdreg.scid  }
0xb5: {  	s30 =	sshll.u32 s29, $0xD;
	s31 =	sshrl.u32 s29, $0x2  }
0xb6: {  	s1 =	sand.u32 $0x1, s29;
	s2 =	sand.u32 $0x4000, s30;
	s0 =	sadd.s32 s31, s28  }
0xb7: {  	s1 =	sor.u32 s2, s1;
	s0 =	sshll.u32 s0, $0x11  }
0xb8: {  	s0 =	sor.u32 s0, s1  }
0xb9: {  	s0 =	sadd.s32 $0x8F2B, s0  }
0xba: {  	[sflag:s0] =	ssyncadd.remote.s32 $0x1  }
0xbb: {  	_ =	sfence.sel $0xFFFF  }
0xbc: {  	[dreg:$0x0] =	wrdreg $0xFFFFFFFF;
	(pc) =	sbr.abs _section_cstart, $3  }
0xbd: {  	[dreg:$0x1] =	wrdreg $0xFFFFFFFF  }
0xbe: {  	_ =	task.clear_ibuf [dreg:s4], $0x2FFFF;
	_ =	strace $0x9FFFFFFF  }
0xbf: {  	(tm) =	ssettm $0x7FFFFFFF  }
tec
execute0_lowered:
.L_overlay_start_1:
0x0: {  	(tag) =	ssettag $0x1  }
0x1: {  	s0 =	rddreg [dreg:$0x0];
	s1 =	stileid.u32  }
0x2: {  	s2 =	rddreg [dreg:$0x1];
	s3 =	simm.s32 $0x0;
	s4 =	sshll.u32 s1, $0x4  }
0x3: {  	[smem:$0x7FF] =	sst s3;
	s4 =	sadd.s32 s4, s0  }
0x4: {  	s30 =	simm.s32 $0x2;
	_ =	strace $0x80000047;
	s5 =	sadd.s32 $0x400, s4  }
0x5: {  	[tilespmem:s3], [sflag:$0x2] =	stream.linear.gather [hbm4b:s5+s3], $0x80, $0x38;
	[tilespmem:$0x100] =	vst v63  }
0x6: {  	_ =	swait.ge [sflag:s30], $0x80  }
0x7: {  	s6 =	simm.s32 $0x80;
	[sflag:s30] =	ssyncset.done $0x0  }
0x8: {  	s31 =	simm.s32 $0x1;
	s0 =	sadd.s32 $0x600, s0;
	[sflag:s30] =	ssyncadd.s32 $0xFFFFFF80  }
0x9: {  	[tilespmem:s6], [sflag:$0x1] =	stream.indirect.gather [hbm4b:s0+s6], $0x1, s3, s6, $0xb8;
	[tilespmem:$0x100] =	vst v63  }
0xa: {  	_ =	swait.ge [sflag:s31], $0x80  }
0xb: {  	[sflag:s31] =	ssyncset.done $0x0  }
0xc: {  	s4 =	sadd.s32 $0x3800, s4;
	[sflag:s31] =	ssyncadd.s32 $0xFFFFFF80  }
0xd: {  	[hbm4b:s4+s3] =	stream.linear.scatter [tilespmem:s6], [sflag:$0x2], $0x80, $0x38;
	[tilespmem:$0x100] =	vst v63  }
0xe: {  	_ =	swait.ge [sflag:s30], $0x80  }
0xf: {  	[sflag:s30] =	ssyncset.done $0x0  }
0x10: {  	[sflag:s30] =	ssyncadd.s32 $0xFFFFFF80  }
0x11: {  	_ =	sfence.sel $0x180000  }
0x12: {  	[bflag:$0x0] =	sbarrier.arrive $0xFFFF  }
0x13: {  	p0 =	sne.s32 s1, $0x0;
	_ =	strace $0x90000047  }
0x14: {  	s0 =	sadd.s32 @!p0 $0x100000, s2;
	[bflag:$0x2] =	sbarrier.arrive $0xFFFF  }
0x15: {  	[sflag:s0] =	ssyncadd.tile.s32 @!p0 $0x1;
	_ =	shalt  }
.Lfunc_end2:
_tile_overlayer_lowered:
.L_overlay_start_2:
0x16: {  	(tag) =	ssettag $0x2  }
0x17: {  	s0 =	rddreg [dreg:$0x0];
	s2 =	stileid.u32  }
0x18: {  	s1 =	rddreg [dreg:$0x1];
	p0 =	sne.s32 s2, $0x0  }
0x19: {  	s3 =	rddreg [dreg:$0x2];
	[bflag:$0x3] =	sbarrier.arrive $0xFFFF;
	s2 =	simm.s32 @!p0 $0x1C02  }
0x1a: {  	[timem:s3], [sflag:s2] =	dma.local @!p0 [hbm:s0], s1  }
0x1b: {  	s0 =	simm.s32 @!p0 $0x2  }
0x1c: {  	_ =	swait.ge @!p0 [sflag:s0], s1  }
0x1d: {  	s1 =	ssub.s32 @!p0 $0x0, s1;
	[sflag:s0] =	ssyncset.done @!p0 $0x0  }
0x1e: {  	[sflag:s0] =	ssyncadd.s32 @!p0 s1  }
0x1f: {  	[bflag:$0x3] =	sbarrier.arrive $0xFFFF  }
0x20: {  	_ =	shalt  }

</sc_bundles>
